<compile_context>
chip_gen: v7x
topology: tpu7x:2x2x1
jax: 0.10.2.dev20260603
libtpu: 0.0.44.dev20260713+nightly
codegen_flags: <defaults>
</compile_context>

<pallas_src>
import jax
import jax.numpy as jnp
from jax import lax
from jax.experimental import pallas as pl
from jax.experimental.pallas import tpu as pltpu
from jax.experimental.pallas import tpu_sc as plsc

E = 16
K = 128
N = 32768

ROWS = 56
S_ADJ = 0 * K
S_BASE = 16 * K
O_ADJ = 24 * K
O_BASE = 40 * K
P_LO = 48 * K
P_IV = 49 * K
P_BIAS = 50 * K
P_LOB = P_LO + 16
P_IVB = P_IV + 16

NC = 2
NS = 16
NW = NC * NS
TPW = N // NW
LANES = 16
ITERS = TPW // LANES


def _tables_tc_body(wb_ref, kb_ref, bb_ref, wa_ref, ka_ref, ba_ref, tab_ref):
  tri = (lax.broadcasted_iota(jnp.int32, (K, K), 0)
         <= lax.broadcasted_iota(jnp.int32, (K, K), 1)).astype(jnp.float32)

  def incl_scan(v):
    return lax.dot_general(
        v, tri, dimension_numbers=(((1,), (0,)), ((), ())),
        precision=lax.Precision.HIGHEST,
        preferred_element_type=jnp.float32)

  ka = ka_ref[...]
  kb = kb_ref[...]
  w = jnp.concatenate([wa_ref[...], wb_ref[...]], axis=0)
  knots = jnp.concatenate([ka, kb], axis=0)
  s = jnp.maximum(w, 0.0) + jnp.log1p(jnp.exp(-jnp.abs(w)))
  col = lax.broadcasted_iota(jnp.int32, w.shape, 1)
  inc = jnp.where(col == 0, jnp.sum(s, axis=1, keepdims=True), -s)
  slope = incl_scan(inc)
  offs = incl_scan(inc * knots)
  tab_ref[0:16, :] = slope[0:16, :]
  tab_ref[16:17, :] = slope[16:17, :]
  tab_ref[24:40, :] = offs[0:16, :]
  tab_ref[40:41, :] = offs[16:17, :]

  lo_c = jnp.concatenate([ka[:, 0:1], kb[:, 0:1]], axis=0)
  hi_c = jnp.concatenate([ka[:, K - 1:K], kb[:, K - 1:K]], axis=0)
  iv_c = (K - 1.0) / (hi_c - lo_c)
  bias_c = jnp.concatenate(
      [ba_ref[...] + bb_ref[...], jnp.zeros((1, 1), jnp.float32)], axis=0)
  cols = jnp.concatenate([lo_c, iv_c, bias_c], axis=1)
  ident = (lax.broadcasted_iota(jnp.int32, (17, 17), 0)
           == lax.broadcasted_iota(jnp.int32, (17, 17), 1)).astype(
               jnp.float32)
  strip = lax.dot_general(
      cols, ident, dimension_numbers=(((0,), (0,)), ((), ())),
      precision=lax.Precision.HIGHEST,
      preferred_element_type=jnp.float32)
  tab_ref[48:51, 0:17] = strip


def _eval_sc_body(x_hbm, idx_hbm, tab_hbm, out_hbm,
                  x_v, e_v, out_v, tab_v, sem0, sem1, sem2):
  wid = lax.axis_index("s") * NC + lax.axis_index("c")
  base = wid * TPW
  cp_t = pltpu.async_copy(tab_hbm, tab_v, sem0)
  cp_x = pltpu.async_copy(x_hbm.at[pl.ds(base, TPW)], x_v, sem1)
  cp_e = pltpu.async_copy(idx_hbm.at[pl.ds(base, TPW)], e_v, sem2)
  cp_t.wait()
  cp_x.wait()
  cp_e.wait()

  zeros = jnp.zeros((LANES,), jnp.int32)
  imax = jnp.full((LANES,), K - 1, jnp.int32)
  fzero = jnp.zeros((LANES,), jnp.float32)
  lo_b = plsc.load_gather(tab_v, [jnp.full((LANES,), P_LOB, jnp.int32)])
  iv_b = plsc.load_gather(tab_v, [jnp.full((LANES,), P_IVB, jnp.int32)])

  def seg_entry(y):
    t = y.astype(jnp.int32)
    i = jnp.where(y > t.astype(jnp.float32), t, t - 1)
    return jnp.minimum(jnp.maximum(i, zeros), imax)

  @plsc.parallel_loop(0, TPW, LANES, unroll=4)
  def _loop(off):
    x16 = x_v[pl.ds(off, LANES)]
    e16 = e_v[pl.ds(off, LANES)]
    lo_a = plsc.load_gather(tab_v, [e16 + P_LO])
    iv_a = plsc.load_gather(tab_v, [e16 + P_IV])
    bias = plsc.load_gather(tab_v, [e16 + P_BIAS])
    ya = (x16 - lo_a) * iv_a
    yb = (x16 - lo_b) * iv_b
    fa = e16 * K + seg_entry(ya)
    fb = seg_entry(yb)
    s_a = plsc.load_gather(tab_v, [fa])
    o_a = plsc.load_gather(tab_v, [fa + O_ADJ])
    s_b = plsc.load_gather(tab_v, [fb + S_BASE])
    o_b = plsc.load_gather(tab_v, [fb + O_BASE])
    adj = jnp.where(ya > fzero, x16 * s_a - o_a, fzero)
    bse = jnp.where(yb > fzero, x16 * s_b - o_b, fzero)
    out_v[pl.ds(off, LANES)] = adj + bse + bias

  pltpu.sync_copy(out_v, out_hbm.at[pl.ds(base, TPW)])


def kernel(x, bucket_idx, knots_base, W_base, b_base, knots_adj, W_adj, b_adj):
  tab = pl.pallas_call(
      _tables_tc_body,
      out_shape=jax.ShapeDtypeStruct((ROWS, K), jnp.float32),
  )(
      W_base.reshape(1, K).astype(jnp.float32),
      knots_base.reshape(1, K).astype(jnp.float32),
      b_base.reshape(1, 1).astype(jnp.float32),
      W_adj.astype(jnp.float32),
      knots_adj.astype(jnp.float32),
      b_adj.astype(jnp.float32),
  )

  mesh = plsc.VectorSubcoreMesh(
      core_axis_name="c", subcore_axis_name="s", num_cores=NC,
      num_subcores=NS)
  out = pl.kernel(
      _eval_sc_body,
      out_type=jax.ShapeDtypeStruct((N,), jnp.float32),
      mesh=mesh,
      compiler_params=pltpu.CompilerParams(
          use_tc_tiling_on_sc=False, needs_layout_passes=False),
      scratch_types=[
          pltpu.VMEM((TPW,), jnp.float32),
          pltpu.VMEM((TPW,), jnp.int32),
          pltpu.VMEM((TPW,), jnp.float32),
          pltpu.VMEM((ROWS * K,), jnp.float32),
          pltpu.SemaphoreType.DMA,
          pltpu.SemaphoreType.DMA,
          pltpu.SemaphoreType.DMA,
      ],
  )(x.reshape(N).astype(jnp.float32), bucket_idx.astype(jnp.int32),
    tab.reshape(ROWS * K))
  return out.reshape(N, 1)

# --- scband reference (transcript-rebuilt; emitter-appended) ---
"""Pipeline reference for scband-bucket-adjusted-hinge-62878321213999 (READ-ONLY COPY).

The authoritative reference and input builder live on the scoring server;
editing this copy changes nothing except your own understanding.
"""

import jax, jax.numpy as jnp
import numpy as np

E = 16
K_BASE = 128
K_ADJ = 128
N = 32768


def _bucket_ranges():
    x_max = 2.0 + 0.25 * np.arange(E)
    return -x_max, x_max


def _hinge_increments(W_raw):
    # Concave, monotone-increasing hinge spline parameterization:
    # per-knot slope decrements are softplus(raw) > 0; the initial slope is their sum,
    # so segment slopes are positive and strictly decreasing (concave increasing).
    s = jax.nn.softplus(W_raw)
    return jnp.concatenate([jnp.sum(s, axis=-1, keepdims=True), -s[..., 1:]], axis=-1)


def setup_inputs(seed: int = 0) -> dict:
    key = jax.random.key(seed)
    ks = [jax.random.fold_in(key, i) for i in range(6)]
    x = jax.random.normal(ks[0], (N, 1), dtype=jnp.float32) * 2.0
    bucket_idx = jax.random.randint(ks[1], (N,), 0, E)
    # base hinge spans the global x-range across all bucket scalers
    knots_base = jnp.linspace(-5.75, 5.75, K_BASE, dtype=jnp.float32)
    x_min, x_max = _bucket_ranges()
    knots_adj = jnp.stack([
        jnp.linspace(float(x_min[i]), float(x_max[i]), K_ADJ) for i in range(E)
    ]).astype(jnp.float32)
    W_base = jax.random.normal(ks[2], (K_BASE,), dtype=jnp.float32) * 0.1
    b_base = jnp.zeros((1,), dtype=jnp.float32)
    W_adj = jax.random.normal(ks[3], (E, K_ADJ), dtype=jnp.float32) * 0.1
    b_adj = jax.random.normal(ks[4], (E, 1), dtype=jnp.float32) * 0.01
    return {
        "x": x,
        "bucket_idx": bucket_idx,
        "knots_base": knots_base,
        "W_base": W_base,
        "b_base": b_base,
        "knots_adj": knots_adj,
        "W_adj": W_adj,
        "b_adj": b_adj,
    }


def reference(x, bucket_idx, knots_base, W_base, b_base, knots_adj, W_adj, b_adj):
    idx = bucket_idx.reshape(-1)
    # shared base hinge: f(x) = bias + sum_k inc_k * relu(x - knot_k)
    inc_base = _hinge_increments(W_base)                      # [K_BASE]
    basis_base = jax.nn.relu(x - knots_base[None, :])         # [N, K_BASE]
    base = basis_base @ inc_base[:, None] + b_base            # [N, 1]
    # per-bucket adjustment hinges, vectorized: gather each token's bucket params
    inc_adj = _hinge_increments(W_adj)                        # [E, K_ADJ]
    knots_b = jnp.take(knots_adj, idx, axis=0)                # [N, K_ADJ]
    inc_b = jnp.take(inc_adj, idx, axis=0)                    # [N, K_ADJ]
    bias_b = jnp.take(b_adj, idx, axis=0)                     # [N, 1]
    adjustment = jnp.sum(jax.nn.relu(x - knots_b) * inc_b, axis=1, keepdims=True) + bias_b
    return base + adjustment

if __name__ == "__main__":
    import jax
    _d = setup_inputs()
    print(jax.jit(kernel)(*tuple(_d.values())))

</pallas_src>

<mosaic_0001>
#map = affine_map<(d0, d1) -> (0)>
module attributes {stable_mosaic.version = 14 : i64} {
  func.func @_eval_sc_body(%arg0: i32, %arg1: i32, %arg2: memref<32768xf32, #tpu.memory_space<hbm>>, %arg3: memref<32768xi32, #tpu.memory_space<hbm>>, %arg4: memref<7168xf32, #tpu.memory_space<hbm>>, %arg5: memref<32768xf32, #tpu.memory_space<hbm>>, %arg6: memref<1024xf32, #tpu.memory_space<vmem>>, %arg7: memref<1024xi32, #tpu.memory_space<vmem>>, %arg8: memref<1024xf32, #tpu.memory_space<vmem>>, %arg9: memref<7168xf32, #tpu.memory_space<vmem>>, %arg10: memref<!tpu.dma_semaphore, #tpu.memory_space<semaphore_mem>>, %arg11: memref<!tpu.dma_semaphore, #tpu.memory_space<semaphore_mem>>, %arg12: memref<!tpu.dma_semaphore, #tpu.memory_space<semaphore_mem>>) attributes {dimension_semantics = [#tpu.dimension_semantics<core_parallel>, #tpu.dimension_semantics<subcore_parallel>], iteration_bounds = array<i64: 2, 16>, scalar_prefetch = 0 : i64, scratch_operands = 7 : i64, tpu.core_type = #tpu.core_type<sc_vector_subcore>, window_params = [{transform_indices = #map}, {transform_indices = #map}, {transform_indices = #map}, {transform_indices = #map}]} {
    %mul3A = arith.constant 2 : i32
    %mul3A_0 = arith.muli %arg1, %mul3A : i32
    %add3A = arith.addi %mul3A_0, %arg0 : i32
    %mul3A_1 = arith.constant 1024 : i32
    %mul3A_2 = arith.muli %add3A, %mul3A_1 : i32
    tpu.enqueue_dma source(%arg4 : memref<7168xf32, #tpu.memory_space<hbm>>) target(%arg9 : memref<7168xf32, #tpu.memory_space<vmem>>) target_semaphore(%arg10 : memref<!tpu.dma_semaphore, #tpu.memory_space<semaphore_mem>>)
    %dma_start3A = tpu.memref_slice %arg2[%mul3A_2] : memref<32768xf32, #tpu.memory_space<hbm>> -> memref<1024xf32, #tpu.memory_space<hbm>>
    %dma_start3A_3 = tpu.memref_slice %arg2[%mul3A_2] : memref<32768xf32, #tpu.memory_space<hbm>> -> memref<1024xf32, #tpu.memory_space<hbm>>
    tpu.enqueue_dma source(%dma_start3A_3 : memref<1024xf32, #tpu.memory_space<hbm>>) target(%arg6 : memref<1024xf32, #tpu.memory_space<vmem>>) target_semaphore(%arg11 : memref<!tpu.dma_semaphore, #tpu.memory_space<semaphore_mem>>)
    %dma_start3A_4 = tpu.memref_slice %arg3[%mul3A_2] : memref<32768xi32, #tpu.memory_space<hbm>> -> memref<1024xi32, #tpu.memory_space<hbm>>
    %dma_start3A_5 = tpu.memref_slice %arg3[%mul3A_2] : memref<32768xi32, #tpu.memory_space<hbm>> -> memref<1024xi32, #tpu.memory_space<hbm>>
    tpu.enqueue_dma source(%dma_start3A_5 : memref<1024xi32, #tpu.memory_space<hbm>>) target(%arg7 : memref<1024xi32, #tpu.memory_space<vmem>>) target_semaphore(%arg12 : memref<!tpu.dma_semaphore, #tpu.memory_space<semaphore_mem>>)
    tpu.wait_dma2 semaphore(%arg10 : memref<!tpu.dma_semaphore, #tpu.memory_space<semaphore_mem>>) src(%arg4 : memref<7168xf32, #tpu.memory_space<hbm>>) dst(%arg9 : memref<7168xf32, #tpu.memory_space<vmem>>)
    %dma_wait3A = tpu.memref_slice %arg2[%mul3A_2] : memref<32768xf32, #tpu.memory_space<hbm>> -> memref<1024xf32, #tpu.memory_space<hbm>>
    %dma_wait3A_6 = tpu.memref_slice %arg2[%mul3A_2] : memref<32768xf32, #tpu.memory_space<hbm>> -> memref<1024xf32, #tpu.memory_space<hbm>>
    tpu.wait_dma2 semaphore(%arg11 : memref<!tpu.dma_semaphore, #tpu.memory_space<semaphore_mem>>) src(%dma_wait3A_6 : memref<1024xf32, #tpu.memory_space<hbm>>) dst(%arg6 : memref<1024xf32, #tpu.memory_space<vmem>>)
    %dma_wait3A_7 = tpu.memref_slice %arg3[%mul3A_2] : memref<32768xi32, #tpu.memory_space<hbm>> -> memref<1024xi32, #tpu.memory_space<hbm>>
    %dma_wait3A_8 = tpu.memref_slice %arg3[%mul3A_2] : memref<32768xi32, #tpu.memory_space<hbm>> -> memref<1024xi32, #tpu.memory_space<hbm>>
    tpu.wait_dma2 semaphore(%arg12 : memref<!tpu.dma_semaphore, #tpu.memory_space<semaphore_mem>>) src(%dma_wait3A_8 : memref<1024xi32, #tpu.memory_space<hbm>>) dst(%arg7 : memref<1024xi32, #tpu.memory_space<vmem>>)
    %broadcast_in_dim3A = arith.constant 0 : i32
    %broadcast_in_dim3A_9 = vector.broadcast %broadcast_in_dim3A : i32 to vector<16xi32>
    %broadcast_in_dim3A_10 = arith.constant 127 : i32
    %broadcast_in_dim3A_11 = vector.broadcast %broadcast_in_dim3A_10 : i32 to vector<16xi32>
    %broadcast_in_dim3A_12 = arith.constant 0.000000e+00 : f32
    %broadcast_in_dim3A_13 = vector.broadcast %broadcast_in_dim3A_12 : f32 to vector<16xf32>
    %broadcast_in_dim3A_14 = arith.constant 6160 : i32
    %broadcast_in_dim3A_15 = vector.broadcast %broadcast_in_dim3A_14 : i32 to vector<16xi32>
    %gather3A = tpu.vector_load_idx %arg9[%broadcast_in_dim3A_15] : memref<7168xf32, #tpu.memory_space<vmem>>[vector<16xi32>], vector<16xf32>,
    %broadcast_in_dim3A_16 = arith.constant 6288 : i32
    %broadcast_in_dim3A_17 = vector.broadcast %broadcast_in_dim3A_16 : i32 to vector<16xi32>
    %gather3A_18 = tpu.vector_load_idx %arg9[%broadcast_in_dim3A_17] : memref<7168xf32, #tpu.memory_space<vmem>>[vector<16xi32>], vector<16xf32>,
    %parallel_loop3A = arith.constant 0 : i32
    %parallel_loop3A_19 = arith.constant 1024 : i32
    %parallel_loop3A_20 = arith.constant 16 : i32
    scf.for %parallel_loop3A_21 = %parallel_loop3A to %parallel_loop3A_19 step %parallel_loop3A_20  : i32 {
      %parallel_loop3A_22 = arith.index_cast %parallel_loop3A_21 : i32 to index
      %parallel_loop3A_23 = tpu.vector_load %arg6[%parallel_loop3A_22] {strides = array<i32>} : memref<1024xf32, #tpu.memory_space<vmem>>, vector<16xf32>,
      %parallel_loop3A_24 = arith.index_cast %parallel_loop3A_21 : i32 to index
      %parallel_loop3A_25 = tpu.vector_load %arg7[%parallel_loop3A_24] {strides = array<i32>} : memref<1024xi32, #tpu.memory_space<vmem>>, vector<16xi32>,
      %parallel_loop3A_26 = arith.constant 6144 : i32
      %parallel_loop3A_27 = vector.broadcast %parallel_loop3A_26 : i32 to vector<16xi32>
      %parallel_loop3A_28 = arith.addi %parallel_loop3A_25, %parallel_loop3A_27 : vector<16xi32>
      %parallel_loop3A_29 = tpu.vector_load_idx %arg9[%parallel_loop3A_28] : memref<7168xf32, #tpu.memory_space<vmem>>[vector<16xi32>], vector<16xf32>,
      %parallel_loop3A_30 = arith.constant 6272 : i32
      %parallel_loop3A_31 = vector.broadcast %parallel_loop3A_30 : i32 to vector<16xi32>
      %parallel_loop3A_32 = arith.addi %parallel_loop3A_25, %parallel_loop3A_31 : vector<16xi32>
      %parallel_loop3A_33 = tpu.vector_load_idx %arg9[%parallel_loop3A_32] : memref<7168xf32, #tpu.memory_space<vmem>>[vector<16xi32>], vector<16xf32>,
      %parallel_loop3A_34 = arith.constant 6400 : i32
      %parallel_loop3A_35 = vector.broadcast %parallel_loop3A_34 : i32 to vector<16xi32>
      %parallel_loop3A_36 = arith.addi %parallel_loop3A_25, %parallel_loop3A_35 : vector<16xi32>
      %parallel_loop3A_37 = tpu.vector_load_idx %arg9[%parallel_loop3A_36] : memref<7168xf32, #tpu.memory_space<vmem>>[vector<16xi32>], vector<16xf32>,
      %parallel_loop3A_38 = arith.subf %parallel_loop3A_23, %parallel_loop3A_29 : vector<16xf32>
      %parallel_loop3A_39 = arith.mulf %parallel_loop3A_38, %parallel_loop3A_33 : vector<16xf32>
      %parallel_loop3A_40 = arith.subf %parallel_loop3A_23, %gather3A : vector<16xf32>
      %parallel_loop3A_41 = arith.mulf %parallel_loop3A_40, %gather3A_18 : vector<16xf32>
      %parallel_loop3A_42 = arith.constant 128 : i32
      %parallel_loop3A_43 = vector.broadcast %parallel_loop3A_42 : i32 to vector<16xi32>
      %parallel_loop3A_44 = arith.muli %parallel_loop3A_25, %parallel_loop3A_43 : vector<16xi32>
      %parallel_loop3A_45 = arith.fptosi %parallel_loop3A_39 : vector<16xf32> to vector<16xi32>
      %parallel_loop3A_46 = arith.sitofp %parallel_loop3A_45 : vector<16xi32> to vector<16xf32>
      %parallel_loop3A_47 = arith.cmpf ogt, %parallel_loop3A_39, %parallel_loop3A_46 : vector<16xf32>
      %parallel_loop3A_48 = arith.constant 1 : i32
      %parallel_loop3A_49 = vector.broadcast %parallel_loop3A_48 : i32 to vector<16xi32>
      %parallel_loop3A_50 = arith.subi %parallel_loop3A_45, %parallel_loop3A_49 : vector<16xi32>
      %parallel_loop3A_51 = arith.select %parallel_loop3A_47, %parallel_loop3A_45, %parallel_loop3A_50 : vector<16xi1>, vector<16xi32>
      %parallel_loop3A_52 = arith.maxsi %parallel_loop3A_51, %broadcast_in_dim3A_9 : vector<16xi32>
      %parallel_loop3A_53 = arith.minsi %parallel_loop3A_52, %broadcast_in_dim3A_11 : vector<16xi32>
      %parallel_loop3A_54 = arith.addi %parallel_loop3A_44, %parallel_loop3A_53 : vector<16xi32>
      %parallel_loop3A_55 = arith.fptosi %parallel_loop3A_41 : vector<16xf32> to vector<16xi32>
      %parallel_loop3A_56 = arith.sitofp %parallel_loop3A_55 : vector<16xi32> to vector<16xf32>
      %parallel_loop3A_57 = arith.cmpf ogt, %parallel_loop3A_41, %parallel_loop3A_56 : vector<16xf32>
      %parallel_loop3A_58 = arith.constant 1 : i32
      %parallel_loop3A_59 = vector.broadcast %parallel_loop3A_58 : i32 to vector<16xi32>
      %parallel_loop3A_60 = arith.subi %parallel_loop3A_55, %parallel_loop3A_59 : vector<16xi32>
      %parallel_loop3A_61 = arith.select %parallel_loop3A_57, %parallel_loop3A_55, %parallel_loop3A_60 : vector<16xi1>, vector<16xi32>
      %parallel_loop3A_62 = arith.maxsi %parallel_loop3A_61, %broadcast_in_dim3A_9 : vector<16xi32>
      %parallel_loop3A_63 = arith.minsi %parallel_loop3A_62, %broadcast_in_dim3A_11 : vector<16xi32>
      %parallel_loop3A_64 = tpu.vector_load_idx %arg9[%parallel_loop3A_54] : memref<7168xf32, #tpu.memory_space<vmem>>[vector<16xi32>], vector<16xf32>,
      %parallel_loop3A_65 = arith.constant 3072 : i32
      %parallel_loop3A_66 = vector.broadcast %parallel_loop3A_65 : i32 to vector<16xi32>
      %parallel_loop3A_67 = arith.addi %parallel_loop3A_54, %parallel_loop3A_66 : vector<16xi32>
      %parallel_loop3A_68 = tpu.vector_load_idx %arg9[%parallel_loop3A_67] : memref<7168xf32, #tpu.memory_space<vmem>>[vector<16xi32>], vector<16xf32>,
      %parallel_loop3A_69 = arith.constant 2048 : i32
      %parallel_loop3A_70 = vector.broadcast %parallel_loop3A_69 : i32 to vector<16xi32>
      %parallel_loop3A_71 = arith.addi %parallel_loop3A_63, %parallel_loop3A_70 : vector<16xi32>
      %parallel_loop3A_72 = tpu.vector_load_idx %arg9[%parallel_loop3A_71] : memref<7168xf32, #tpu.memory_space<vmem>>[vector<16xi32>], vector<16xf32>,
      %parallel_loop3A_73 = arith.constant 5120 : i32
      %parallel_loop3A_74 = vector.broadcast %parallel_loop3A_73 : i32 to vector<16xi32>
      %parallel_loop3A_75 = arith.addi %parallel_loop3A_63, %parallel_loop3A_74 : vector<16xi32>
      %parallel_loop3A_76 = tpu.vector_load_idx %arg9[%parallel_loop3A_75] : memref<7168xf32, #tpu.memory_space<vmem>>[vector<16xi32>], vector<16xf32>,
      %parallel_loop3A_77 = arith.cmpf ogt, %parallel_loop3A_39, %broadcast_in_dim3A_13 : vector<16xf32>
      %parallel_loop3A_78 = arith.mulf %parallel_loop3A_23, %parallel_loop3A_64 : vector<16xf32>
      %parallel_loop3A_79 = arith.subf %parallel_loop3A_78, %parallel_loop3A_68 : vector<16xf32>
      %parallel_loop3A_80 = arith.select %parallel_loop3A_77, %parallel_loop3A_79, %broadcast_in_dim3A_13 : vector<16xi1>, vector<16xf32>
      %parallel_loop3A_81 = arith.cmpf ogt, %parallel_loop3A_41, %broadcast_in_dim3A_13 : vector<16xf32>
      %parallel_loop3A_82 = arith.mulf %parallel_loop3A_23, %parallel_loop3A_72 : vector<16xf32>
      %parallel_loop3A_83 = arith.subf %parallel_loop3A_82, %parallel_loop3A_76 : vector<16xf32>
      %parallel_loop3A_84 = arith.select %parallel_loop3A_81, %parallel_loop3A_83, %broadcast_in_dim3A_13 : vector<16xi1>, vector<16xf32>
      %parallel_loop3A_85 = arith.addf %parallel_loop3A_80, %parallel_loop3A_84 : vector<16xf32>
      %parallel_loop3A_86 = arith.addf %parallel_loop3A_85, %parallel_loop3A_37 : vector<16xf32>
      %parallel_loop3A_87 = arith.index_cast %parallel_loop3A_21 : i32 to index
      %parallel_loop3A_88 = tpu.vector_load %arg8[%parallel_loop3A_87] {strides = array<i32>} : memref<1024xf32, #tpu.memory_space<vmem>>, vector<16xf32>,
      tpu.vector_store %arg8[%parallel_loop3A_87], %parallel_loop3A_86 {strides = array<i32>} : memref<1024xf32, #tpu.memory_space<vmem>>, vector<16xf32>,
    } {sc.loop_unroll_factor = 4 : i64, sc.parallel_access}
    "tpu.region"() ({
      %run_scoped3A = tpu.sem_alloc : memref<!tpu.dma_semaphore, #tpu.memory_space<semaphore_mem>>
      %dma_start3A_21 = tpu.memref_slice %arg5[%mul3A_2] : memref<32768xf32, #tpu.memory_space<hbm>> -> memref<1024xf32, #tpu.memory_space<hbm>>
      %dma_start3A_22 = tpu.memref_slice %arg5[%mul3A_2] : memref<32768xf32, #tpu.memory_space<hbm>> -> memref<1024xf32, #tpu.memory_space<hbm>>
      tpu.enqueue_dma source(%arg8 : memref<1024xf32, #tpu.memory_space<vmem>>) target(%dma_start3A_22 : memref<1024xf32, #tpu.memory_space<hbm>>) target_semaphore(%run_scoped3A : memref<!tpu.dma_semaphore, #tpu.memory_space<semaphore_mem>>)
      %dma_wait3A_23 = tpu.memref_slice %arg5[%mul3A_2] : memref<32768xf32, #tpu.memory_space<hbm>> -> memref<1024xf32, #tpu.memory_space<hbm>>
      %dma_wait3A_24 = tpu.memref_slice %arg5[%mul3A_2] : memref<32768xf32, #tpu.memory_space<hbm>> -> memref<1024xf32, #tpu.memory_space<hbm>>
      tpu.wait_dma2 semaphore(%run_scoped3A : memref<!tpu.dma_semaphore, #tpu.memory_space<semaphore_mem>>) src(%arg8 : memref<1024xf32, #tpu.memory_space<vmem>>) dst(%dma_wait3A_24 : memref<1024xf32, #tpu.memory_space<hbm>>)
      tpu.yield
    }) : () -> ()
    return
  }
}

module attributes {stable_mosaic.version = 14 : i64} {
  func.func @_tables_tc_body(%arg0: memref<1x128xf32, #tpu.memory_space<vmem>>, %arg1: memref<1x128xf32, #tpu.memory_space<vmem>>, %arg2: memref<1x1xf32, #tpu.memory_space<vmem>>, %arg3: memref<16x128xf32, #tpu.memory_space<vmem>>, %arg4: memref<16x128xf32, #tpu.memory_space<vmem>>, %arg5: memref<16x1xf32, #tpu.memory_space<vmem>>, %arg6: memref<56x128xf32, #tpu.memory_space<vmem>>) attributes {dimension_semantics = [], scalar_prefetch = 0 : i64, scratch_operands = 0 : i64, tpu.core_type = #tpu.core_type<tc>} {
    %iota3A = tpu.iota {dimensions = array<i32: 0>} : vector<128x128xi32>
    %iota3A_0 = tpu.iota {dimensions = array<i32: 1>} : vector<128x128xi32>
    %le3A = arith.cmpi sle, %iota3A, %iota3A_0 : vector<128x128xi32>
    %convert_element_type3A = arith.extui %le3A : vector<128x128xi1> to vector<128x128xi32>
    %convert_element_type3A_1 = arith.sitofp %convert_element_type3A : vector<128x128xi32> to vector<128x128xf32>
    %get3A = arith.constant 0 : index
    %get3A_2 = arith.constant 0 : index
    %get3A_3 = vector.load %arg4[%get3A, %get3A_2] : memref<16x128xf32, #tpu.memory_space<vmem>>, vector<16x128xf32>
    %get3A_4 = arith.constant 0 : index
    %get3A_5 = arith.constant 0 : index
    %get3A_6 = vector.load %arg1[%get3A_4, %get3A_5] : memref<1x128xf32, #tpu.memory_space<vmem>>, vector<1x128xf32>
    %get3A_7 = arith.constant 0 : index
    %get3A_8 = arith.constant 0 : index
    %get3A_9 = vector.load %arg3[%get3A_7, %get3A_8] : memref<16x128xf32, #tpu.memory_space<vmem>>, vector<16x128xf32>
    %get3A_10 = arith.constant 0 : index
    %get3A_11 = arith.constant 0 : index
    %get3A_12 = vector.load %arg0[%get3A_10, %get3A_11] : memref<1x128xf32, #tpu.memory_space<vmem>>, vector<1x128xf32>
    %concatenate3A = tpu.concatenate %get3A_9, %get3A_12 in 0 : vector<16x128xf32>, vector<1x128xf32> -> vector<17x128xf32>
    %concatenate3A_13 = tpu.concatenate %get3A_3, %get3A_6 in 0 : vector<16x128xf32>, vector<1x128xf32> -> vector<17x128xf32>
    %max3A = arith.constant 0.000000e+00 : f32
    %max3A_14 = vector.broadcast %max3A : f32 to vector<17x128xf32>
    %max3A_15 = arith.maximumf %concatenate3A, %max3A_14 : vector<17x128xf32>
    %abs3A = math.absf %concatenate3A : vector<17x128xf32>
    %neg3A = arith.constant 0.000000e+00 : f32
    %neg3A_16 = vector.broadcast %neg3A : f32 to vector<17x128xf32>
    %neg3A_17 = arith.subf %neg3A_16, %abs3A : vector<17x128xf32>
    %exp3A = math.exp %neg3A_17 : vector<17x128xf32>
    %log1p3A = math.log1p %exp3A : vector<17x128xf32>
    %add3A = arith.addf %max3A_15, %log1p3A : vector<17x128xf32>
    %iota3A_18 = tpu.iota {dimensions = array<i32: 1>} : vector<17x128xi32>
    %eq3A = arith.constant 0 : i32
    %eq3A_19 = vector.broadcast %eq3A : i32 to vector<17x128xi32>
    %eq3A_20 = arith.cmpi eq, %iota3A_18, %eq3A_19 : vector<17x128xi32>
    %reduce_sum3A = arith.constant dense<0.000000e+00> : vector<17xf32>
    %reduce_sum3A_21 = vector.multi_reduction <add>, %add3A, %reduce_sum3A [1] : vector<17x128xf32> to vector<17xf32>
    %broadcast_in_dim3A = vector.shape_cast %reduce_sum3A_21 : vector<17xf32> to vector<17x1xf32>
    %neg3A_22 = arith.constant 0.000000e+00 : f32
    %neg3A_23 = vector.broadcast %neg3A_22 : f32 to vector<17x128xf32>
    %neg3A_24 = arith.subf %neg3A_23, %add3A : vector<17x128xf32>
    %broadcast_in_dim3A_25 = vector.shape_cast %broadcast_in_dim3A : vector<17x1xf32> to vector<17x1xf32>
    %broadcast_in_dim3A_26 = vector.broadcast %broadcast_in_dim3A_25 : vector<17x1xf32> to vector<17x128xf32>
    %select_n3A = arith.select %eq3A_20, %broadcast_in_dim3A_26, %neg3A_24 : vector<17x128xi1>, vector<17x128xf32>
    %dot_general3A = arith.constant dense<0.000000e+00> : vector<17x128xf32>
    %dot_general3A_27 = tpu.matmul %select_n3A, %convert_element_type3A_1, %dot_general3A {dimension_numbers = #tpu.dot_dimension_numbers<[1], [0], [0], [1], [0, 0, 1, 1], [], []>, precision = #tpu.contract_precision<fp32>, transpose_lhs_hint = false} : vector<17x128xf32>, vector<128x128xf32>, vector<17x128xf32> -> vector<17x128xf32>
    %mul3A = arith.mulf %select_n3A, %concatenate3A_13 : vector<17x128xf32>
    %dot_general3A_28 = arith.constant dense<0.000000e+00> : vector<17x128xf32>
    %dot_general3A_29 = tpu.matmul %mul3A, %convert_element_type3A_1, %dot_general3A_28 {dimension_numbers = #tpu.dot_dimension_numbers<[1], [0], [0], [1], [0, 0, 1, 1], [], []>, precision = #tpu.contract_precision<fp32>, transpose_lhs_hint = false} : vector<17x128xf32>, vector<128x128xf32>, vector<17x128xf32> -> vector<17x128xf32>
    %slice3A = vector.extract_strided_slice %dot_general3A_27 {offsets = [0, 0], sizes = [16, 128], strides = [1, 1]} : vector<17x128xf32> to vector<16x128xf32>
    %swap3A = arith.constant 0 : index
    %swap3A_30 = arith.constant 0 : index
    %swap3A_31 = vector.load %arg6[%swap3A, %swap3A_30] : memref<56x128xf32, #tpu.memory_space<vmem>>, vector<16x128xf32>
    tpu.vector_store %arg6[%swap3A, %swap3A_30], %slice3A {strides = array<i32>} : memref<56x128xf32, #tpu.memory_space<vmem>>, vector<16x128xf32>,
    %slice3A_32 = vector.extract_strided_slice %dot_general3A_27 {offsets = [16, 0], sizes = [1, 128], strides = [1, 1]} : vector<17x128xf32> to vector<1x128xf32>
    %swap3A_33 = arith.constant 16 : index
    %swap3A_34 = arith.constant 0 : index
    %swap3A_35 = vector.load %arg6[%swap3A_33, %swap3A_34] : memref<56x128xf32, #tpu.memory_space<vmem>>, vector<1x128xf32>
    tpu.vector_store %arg6[%swap3A_33, %swap3A_34], %slice3A_32 {strides = array<i32>} : memref<56x128xf32, #tpu.memory_space<vmem>>, vector<1x128xf32>,
    %slice3A_36 = vector.extract_strided_slice %dot_general3A_29 {offsets = [0, 0], sizes = [16, 128], strides = [1, 1]} : vector<17x128xf32> to vector<16x128xf32>
    %swap3A_37 = arith.constant 24 : index
    %swap3A_38 = arith.constant 0 : index
    %swap3A_39 = vector.load %arg6[%swap3A_37, %swap3A_38] : memref<56x128xf32, #tpu.memory_space<vmem>>, vector<16x128xf32>
    tpu.vector_store %arg6[%swap3A_37, %swap3A_38], %slice3A_36 {strides = array<i32>} : memref<56x128xf32, #tpu.memory_space<vmem>>, vector<16x128xf32>,
    %slice3A_40 = vector.extract_strided_slice %dot_general3A_29 {offsets = [16, 0], sizes = [1, 128], strides = [1, 1]} : vector<17x128xf32> to vector<1x128xf32>
    %swap3A_41 = arith.constant 40 : index
    %swap3A_42 = arith.constant 0 : index
    %swap3A_43 = vector.load %arg6[%swap3A_41, %swap3A_42] : memref<56x128xf32, #tpu.memory_space<vmem>>, vector<1x128xf32>
    tpu.vector_store %arg6[%swap3A_41, %swap3A_42], %slice3A_40 {strides = array<i32>} : memref<56x128xf32, #tpu.memory_space<vmem>>, vector<1x128xf32>,
    %slice3A_44 = vector.extract_strided_slice %get3A_3 {offsets = [0, 0], sizes = [16, 1], strides = [1, 1]} : vector<16x128xf32> to vector<16x1xf32>
    %slice3A_45 = vector.extract_strided_slice %get3A_6 {offsets = [0, 0], sizes = [1, 1], strides = [1, 1]} : vector<1x128xf32> to vector<1x1xf32>
    %concatenate3A_46 = tpu.concatenate %slice3A_44, %slice3A_45 in 0 : vector<16x1xf32>, vector<1x1xf32> -> vector<17x1xf32>
    %slice3A_47 = vector.extract_strided_slice %get3A_3 {offsets = [0, 127], sizes = [16, 1], strides = [1, 1]} : vector<16x128xf32> to vector<16x1xf32>
    %slice3A_48 = vector.extract_strided_slice %get3A_6 {offsets = [0, 127], sizes = [1, 1], strides = [1, 1]} : vector<1x128xf32> to vector<1x1xf32>
    %concatenate3A_49 = tpu.concatenate %slice3A_47, %slice3A_48 in 0 : vector<16x1xf32>, vector<1x1xf32> -> vector<17x1xf32>
    %sub3A = arith.subf %concatenate3A_49, %concatenate3A_46 : vector<17x1xf32>
    %div3A = arith.constant 1.270000e+02 : f32
    %div3A_50 = vector.broadcast %div3A : f32 to vector<17x1xf32>
    %div3A_51 = arith.divf %div3A_50, %sub3A : vector<17x1xf32>
    %get3A_52 = arith.constant 0 : index
    %get3A_53 = arith.constant 0 : index
    %get3A_54 = vector.load %arg5[%get3A_52, %get3A_53] : memref<16x1xf32, #tpu.memory_space<vmem>>, vector<16x1xf32>
    %get3A_55 = arith.constant 0 : index
    %get3A_56 = arith.constant 0 : index
    %get3A_57 = vector.load %arg2[%get3A_55, %get3A_56] : memref<1x1xf32, #tpu.memory_space<vmem>>, vector<1x1xf32>
    %add3A_58 = vector.broadcast %get3A_57 : vector<1x1xf32> to vector<16x1xf32>
    %add3A_59 = arith.addf %get3A_54, %add3A_58 : vector<16x1xf32>
    %broadcast_in_dim3A_60 = arith.constant 0.000000e+00 : f32
    %broadcast_in_dim3A_61 = vector.broadcast %broadcast_in_dim3A_60 : f32 to vector<1x1xf32>
    %concatenate3A_62 = tpu.concatenate %add3A_59, %broadcast_in_dim3A_61 in 0 : vector<16x1xf32>, vector<1x1xf32> -> vector<17x1xf32>
    %concatenate3A_63 = tpu.concatenate %concatenate3A_46, %div3A_51, %concatenate3A_62 in 1 : vector<17x1xf32>, vector<17x1xf32>, vector<17x1xf32> -> vector<17x3xf32>
    %iota3A_64 = tpu.iota {dimensions = array<i32: 0>} : vector<17x17xi32>
    %iota3A_65 = tpu.iota {dimensions = array<i32: 1>} : vector<17x17xi32>
    %eq3A_66 = arith.cmpi eq, %iota3A_64, %iota3A_65 : vector<17x17xi32>
    %convert_element_type3A_67 = arith.extui %eq3A_66 : vector<17x17xi1> to vector<17x17xi32>
    %convert_element_type3A_68 = arith.sitofp %convert_element_type3A_67 : vector<17x17xi32> to vector<17x17xf32>
    %dot_general3A_69 = arith.constant dense<0.000000e+00> : vector<3x17xf32>
    %dot_general3A_70 = tpu.matmul %concatenate3A_63, %convert_element_type3A_68, %dot_general3A_69 {dimension_numbers = #tpu.dot_dimension_numbers<[0], [0], [1], [1], [0, 1, 1, 1], [], []>, precision = #tpu.contract_precision<fp32>, transpose_lhs_hint = false} : vector<17x3xf32>, vector<17x17xf32>, vector<3x17xf32> -> vector<3x17xf32>
    %swap3A_71 = arith.constant 48 : index
    %swap3A_72 = arith.constant 0 : index
    %swap3A_73 = vector.load %arg6[%swap3A_71, %swap3A_72] : memref<56x128xf32, #tpu.memory_space<vmem>>, vector<3x17xf32>
    tpu.vector_store %arg6[%swap3A_71, %swap3A_72], %dot_general3A_70 {strides = array<i32>} : memref<56x128xf32, #tpu.memory_space<vmem>>, vector<3x17xf32>,
    return
  }
}

</mosaic_0001>

<sc_bundles>
// kernel: kernel.4.cloned.1.call-start
scs
__scs_entry_jumppad:
0x0: {  	(pc) =	sbr.rel $0x88, $3  }
0x1: {  	(tag) =	ssettag $0x0;
	lr =	simm.s32 $0x1  }
0x2: {  	[smem:$0x3F99] =	sst lr;
	_ =	strace $0xD0000000  }
0x3: {  	_ = 	snop  }
0x4: {  	_ = 	snop  }
0x5: {  	_ = 	snop  }
0x6: {  	_ = 	snop  }
0x7: {  	_ = 	snop  }
__scs_overlays_trampoline_lowered:
0x8: {  	[smem:$0x3FA8] =	sst s0  }
0x9: {  	[smem:$0x3FA9] =	sst s1  }
0xa: {  	[smem:$0x3FAA] =	sst s2  }
0xb: {  	[smem:$0x3FAB] =	sst s3  }
0xc: {  	[smem:$0x3FAC] =	sst s4  }
0xd: {  	[smem:$0x3FAD] =	sst s5  }
0xe: {  	[smem:$0x3FAE] =	sst s6  }
0xf: {  	[smem:$0x3FAF] =	sst s7  }
0x10: {  	[smem:$0x3FB0] =	sst s8  }
0x11: {  	[smem:$0x3FB1] =	sst s9;
	s0 =	simm.s32 @!p0 $0x0  }
0x12: {  	s1 =	sld [smem:$0x3F97];
	s0 =	simm.s32 @p0 $0x1  }
0x13: {  	[smem:$0x3FB2] =	sst s0;
	s0 =	simm.s32 @!p1 $0x0  }
0x14: {  	s2 =	sld [smem:$0x3F96];
	s0 =	simm.s32 @p1 $0x1  }
0x15: {  	[smem:$0x3FB3] =	sst s0;
	s0 =	simm.s32 @!p2 $0x0  }
0x16: {  	s3 =	sld [smem:$0x3FDB];
	s0 =	simm.s32 @p2 $0x1  }
0x17: {  	s4 =	simm.s32 $0x1BF5;
	[smem:$0x3FB5] =	sst s0  }
0x18: {  	s0 =	sld [smem:$0x3F98];
	_ =	swait.ge [sflag:s4], $0x0  }
0x19: {  	s7 =	sld [smem:$0x3F99]  }
0x1a: {  	s8 =	sadd.s32 $0xFFFFE003, lr  }
0x1b: {  	s9 =	sadd.s32 $0xFFFFFEF7, lr;
	s5 =	simm.s32 $0xFFFFFFFF;
	p2 =	slt.u32 s8, $0xFFFFF086  }
0x1c: {  	p1 =	slt.u32 s9, $0xF7A;
	s5 =	simm.s32 @!p2 $0x0  }
0x1d: {  	s5 =	simm.s32 @p1 $0x1;
	p0 =	seq.s32 s7, s2  }
0x1e: {  	s7 =	smul.u32 @!p0 $0xF7A, s2;
	p2 =	seq.s32 @!p0 s5, $0x0  }
0x1f: {  	s9 =	smul.u32 $0xF7A, s1;
	s8 =	simm.s32 @!p0 $0x1BF5;
	p2 =	por !p2, p0  }
0x20: {  	[sflag:s8] =	ssyncset.s32 @!p0 $0xFFFFF086;
	s6 =	sadd.s32 @!p0 s3, s7;
	s7 =	simm.s32 @!p0 $0x108  }
0x21: {  	s3 =	sadd.s32 s3, s9;
	s6 =	sadd.s32 @!p0 $0x88, s6;
	s7 =	simm.s32 @p2 $0x1082  }
0x22: {  	[simem:s7], [sflag:s8] =	dma.local @!p0 [hbm:s6], $0xF7A  }
0x23: {  	s9 =	sor.u32 $0xD0000000, s2;
	s6 =	simm.s32 $0x108;
	_ =	swait.ge @!p0 [sflag:s8], $0x0  }
0x24: {  	s3 =	sadd.s32 $0x88, s3;
	s6 =	simm.s32 @!p1 $0x1082;
	[sflag:s4] =	ssyncset.s32 $0xFFFFF086  }
0x25: {  	[simem:s6], [sflag:s4] =	dma.local [hbm:s3], $0xF7A  }
0x26: {  	[smem:$0x3F99] =	sst s1;
	(tag) =	ssettag s2;
	_ =	strace s9  }
0x27: {  	s1 =	sld [smem:$0x3FA9]  }
0x28: {  	s2 =	sld [smem:$0x3FAA]  }
0x29: {  	s4 =	sld [smem:$0x3FAC]  }
0x2a: {  	p0 =	seq.s32 s5, $0x0;
	s5 =	sld [smem:$0x3FAD]  }
0x2b: {  	s6 =	sld [smem:$0x3FAE]  }
0x2c: {  	s7 =	sld [smem:$0x3FAF]  }
0x2d: {  	s3 =	simm.s32 $0x108;
	s8 =	sld [smem:$0x3FB0]  }
0x2e: {  	s3 =	simm.s32 @!p0 $0x1082;
	s9 =	sld [smem:$0x3FB1]  }
0x2f: {  	lr =	sadd.s32 s0, s3;
	s0 =	sld [smem:$0x3FA8]  }
0x30: {  	s3 =	sld [smem:$0x3FAB]  }
0x31: {  	[smem:$0x3FB4] =	sst s10  }
0x32: {  	s10 =	sld [smem:$0x3FB2];
	_ =	sdelay $0x3  }
0x33: {  	p0 =	seq.s32 s10, $0x1;
	s10 =	sld [smem:$0x3FB4];
	_ =	sdelay $0x3  }
0x34: {  	[smem:$0x3FB4] =	sst s10  }
0x35: {  	s10 =	sld [smem:$0x3FB3];
	_ =	sdelay $0x3  }
0x36: {  	p1 =	seq.s32 s10, $0x1;
	s10 =	sld [smem:$0x3FB4];
	_ =	sdelay $0x3  }
0x37: {  	[smem:$0x3FB4] =	sst s10  }
0x38: {  	s10 =	sld [smem:$0x3FB5]  }
0x39: {  	_ = 	snop;
	(pc) =	sbr.ind lr, $3  }
0x3a: {  	_ = 	snop  }
0x3b: {  	_ = 	snop  }
0x3c: {  	p2 =	seq.s32 s10, $0x1;
	s10 =	sld [smem:$0x3FB4]  }
0x3d: {  	_ =	shalt  }
0x3e: {  	_ =	shalt  }
0x3f: {  	_ =	shalt  }
0x40: {  	_ =	shalt  }
0x41: {  	_ =	shalt  }
0x42: {  	_ =	shalt  }
0x43: {  	_ =	shalt  }
0x44: {  	_ =	shalt  }
0x45: {  	_ =	shalt  }
0x46: {  	_ =	shalt  }
0x47: {  	_ =	shalt  }
0x48: {  	_ =	shalt  }
0x49: {  	_ =	shalt  }
0x4a: {  	_ =	shalt  }
0x4b: {  	_ =	shalt  }
0x4c: {  	_ =	shalt  }
0x4d: {  	_ =	shalt  }
0x4e: {  	_ =	shalt  }
0x4f: {  	_ =	shalt  }
0x50: {  	_ =	shalt  }
0x51: {  	_ =	shalt  }
0x52: {  	_ =	shalt  }
0x53: {  	_ =	shalt  }
0x54: {  	_ =	shalt  }
0x55: {  	_ =	shalt  }
0x56: {  	_ =	shalt  }
0x57: {  	_ =	shalt  }
0x58: {  	_ =	shalt  }
0x59: {  	_ =	shalt  }
0x5a: {  	_ =	shalt  }
0x5b: {  	_ =	shalt  }
0x5c: {  	_ =	shalt  }
0x5d: {  	_ =	shalt  }
0x5e: {  	_ =	shalt  }
0x5f: {  	_ =	shalt  }
0x60: {  	_ =	shalt  }
0x61: {  	_ =	shalt  }
0x62: {  	_ =	shalt  }
0x63: {  	_ =	shalt  }
0x64: {  	_ =	shalt  }
0x65: {  	_ =	shalt  }
0x66: {  	_ =	shalt  }
0x67: {  	_ =	shalt  }
0x68: {  	_ =	shalt  }
0x69: {  	_ =	shalt  }
0x6a: {  	_ =	shalt  }
0x6b: {  	_ =	shalt  }
0x6c: {  	_ =	shalt  }
0x6d: {  	_ =	shalt  }
0x6e: {  	_ =	shalt  }
0x6f: {  	_ =	shalt  }
0x70: {  	_ =	shalt  }
0x71: {  	_ =	shalt  }
0x72: {  	_ =	shalt  }
0x73: {  	_ =	shalt  }
0x74: {  	_ =	shalt  }
0x75: {  	_ =	shalt  }
0x76: {  	_ =	shalt  }
0x77: {  	_ =	shalt  }
0x78: {  	_ =	shalt  }
0x79: {  	_ =	shalt  }
0x7a: {  	_ =	shalt  }
0x7b: {  	_ =	shalt  }
0x7c: {  	_ =	shalt  }
0x7d: {  	_ =	shalt  }
0x7e: {  	_ =	shalt  }
0x7f: {  	_ =	shalt  }
0x80: {  	_ =	shalt  }
0x81: {  	_ =	shalt  }
0x82: {  	_ =	shalt  }
0x83: {  	_ =	shalt  }
0x84: {  	_ =	shalt  }
0x85: {  	_ =	shalt  }
0x86: {  	_ =	shalt  }
0x87: {  	_ =	shalt  }
.Lfunc_end0:
.L_simem_size_0:
called_computation_lowered:
.L_overlay_start_0:
0x88: {  	s2 =	sld [smem:$0x3FD9]  }
0x89: {  	s3 =	sld [smem:$0x3FFE];
	_ =	sdelay $0x1  }
0x8a: {  	s1 =	srdreg.scid  }
0x8b: {  	s0 =	sand.u32 $0x1, s1  }
0x8c: {  	s17 =	sshll.u32 s0, $0xA;
	s2 =	sadd.s32 s3, s2  }
0x8d: {  	s2 =	sadd.s32 s2, s17  }
0x8e: {  	[smem:$0x3FC0] =	sst s2  }
0x8f: {  	_ = 	snop  }
0x90: {  	s2 =	sld [smem:$0x3FC9]  }
0x91: {  	s18 =	sld [smem:$0x3FC8]  }
0x92: {  	s4 =	sld [smem:$0x3FD0];
	(tm) =	ssettm $0x1  }
0x93: {  	s5 =	sld [smem:$0x3FFB];
	_ =	sdelay $0x3  }
0x94: {  	_ =	strace s5  }
0x95: {  	s5 =	sld [smem:$0x3FFC];
	_ =	sdelay $0x3  }
0x96: {  	_ =	strace s5  }
0x97: {  	s5 =	sld [smem:$0x3FFD];
	_ =	sdelay $0x3  }
0x98: {  	_ =	strace s5  }
0x99: {  	_ =	strace $0x8FFFFFFF  }
0x9a: {  	s19 =	sld [smem:$0x3FDB];
	_ =	sdelay $0x1  }
0x9b: {  	s6 =	simm.s32 $_scs_section_size  }
0x9c: {  	s7 =	simm.s32 $_size__tile_overlayer_lowered;
	s8 =	simm.s32 $_tile_overlayer_lowered  }
0x9d: {  	s22 =	simm.s32 $0x1BFF;
	s21 =	sshll.u32 s8, $0x1;
	s5 =	sadd.s32 s6, s19  }
0x9e: {  	s9 =	simm.s32 $0x0;
	s20 =	sshll.u32 s7, $0x1;
	s7 =	sadd.s32 s21, s5  }
0x9f: {  	[timem:s9], [sflag:s22] =	dma.local [hbm:s7], s20  }
0xa0: {  	_ =	swait.ge [sflag:s22], s20  }
0xa1: {  	s6 =	ssub.s32 $0x0, s20;
	[sflag:s22] =	ssyncset.done $0x0  }
0xa2: {  	[sflag:s22] =	ssyncadd.s32 s6;
	_ =	sdelay $0x1  }
0xa3: {  	s23 =	simm.s32 $0x1B8B  }
0xa4: {  	_ =	swait.ge [sflag:s23], $0x1  }
0xa5: {  	[sflag:s23] =	ssyncset.done $0x0  }
0xa6: {  	s25 =	simm.s32 $0x1B8E;
	s24 =	sld [smem:$0x3FFE];
	[sflag:s23] =	ssyncadd.s32 $0xFFFFFFFF  }
0xa7: {  	s26 =	simm.s32 $execute0_lowered;
	[smem:$0x3FD2] =	sst s25  }
0xa8: {  	s7 =	sshll.u32 s26, $0x1;
	_ =	strace $0x80000046;
	[dreg:$0x1] =	wrdreg $0xFFFFFFFF  }
0xa9: {  	s28 =	simm.s32 $_size_execute0_lowered;
	s5 =	sadd.s32 s5, s7;
	[dreg:$0x0] =	wrdreg $0x0  }
0xaa: {  	s7 =	sshll.u32 s28, $0x1;
	[dreg:$0x2] =	wrdreg s5  }
0xab: {  	[dreg:$0x3] =	wrdreg s7  }
0xac: {  	[dreg:$0x4] =	wrdreg $0xC0  }
0xad: {  	_ =	task [dreg:s9], $0x5FFFF  }
0xae: {  	[dreg:$0x1] =	wrdreg $0xFFFFFFFF  }
0xaf: {  	[dreg:$0x0] =	wrdreg $0x60  }
0xb0: {  	[dreg:$0x2] =	wrdreg s2  }
0xb1: {  	[dreg:$0x3] =	wrdreg s18  }
0xb2: {  	[dreg:$0x4] =	wrdreg s24  }
0xb3: {  	[dreg:$0x5] =	wrdreg s4  }
0xb4: {  	[dreg:$0x6] =	wrdreg $0x9  }
0xb5: {  	_ =	task.clear_ibuf [dreg:s9], $0x7FFFF;
	_ =	strace $0x90000046  }
0xb6: {  	s29 =	simm.s32 $0x9;
	_ =	strace $0x80000048  }
0xb7: {  	_ =	swait.ge [sflag:s29], $0x1  }
0xb8: {  	[sflag:s29] =	ssyncadd.s32 $0xFFFFFFFF  }
0xb9: {  	_ =	strace $0x90000048  }
0xba: {  	_ =	sfence  }
0xbb: {  	s30 =	sld [smem:$0x0];
	_ =	sdelay $0x2  }
0xbc: {  	s31 =	sshll.u32 s1, $0xD;
	s1 =	sshrl.u32 s1, $0x2  }
0xbd: {  	s3 =	sand.u32 $0x4000, s31;
	s1 =	sadd.s32 s1, s30  }
0xbe: {  	s0 =	sor.u32 s3, s0;
	s1 =	sshll.u32 s1, $0x11  }
0xbf: {  	s0 =	sor.u32 s1, s0  }
0xc0: {  	s0 =	sadd.s32 $0x8F2B, s0  }
0xc1: {  	[sflag:s0] =	ssyncadd.remote.s32 $0x1  }
0xc2: {  	_ =	sfence.sel $0xFFFF  }
0xc3: {  	[dreg:$0x0] =	wrdreg $0xFFFFFFFF;
	(pc) =	sbr.abs _section_cstart, $3  }
0xc4: {  	[dreg:$0x1] =	wrdreg $0xFFFFFFFF  }
0xc5: {  	_ =	task.clear_ibuf [dreg:s9], $0x2FFFF;
	_ =	strace $0x9FFFFFFF  }
0xc6: {  	(tm) =	ssettm $0x7FFFFFFF  }
0xc7: {  	_ =	shalt  }
tec
execute0_lowered:
.L_overlay_start_1:
0x0: {  	(tag) =	ssettag $0x1  }
0x1: {  	s4 =	rddreg [dreg:$0x0]  }
0x2: {  	s5 =	rddreg [dreg:$0x1]  }
0x3: {  	s3 =	rddreg [dreg:$0x2]  }
0x4: {  	s6 =	rddreg [dreg:$0x3]  }
0x5: {  	s0 =	rddreg [dreg:$0x4];
	s1 =	simm.s32 $0x0  }
0x6: {  	s2 =	srdreg.scid;
	s11 =	simm.s32 $0x2;
	s12 =	simm.s32 $0x3  }
0x7: {  	s13 =	simm.s32 $0x800;
	s14 =	simm.s32 $0x4;
	s15 =	simm.s32 $0x0  }
0x8: {  	[smem:$0x7FF] =	sst s1;
	s7 =	sand.u32 $0x1, s2;
	s2 =	stileid.u32  }
0x9: {  	s3 =	sadd.s32 $0x1000, s3;
	_ =	strace $0x80000047;
	s8 =	ssub.s32 $0x2, s7  }
0xa: {  	s10 =	sshll.u32 s2, $0x8;
	s7 =	sshll.u32 s7, $0x7;
	s9 =	sshrl.u32 s8, $0x1  }
0xb: {  	s7 =	sor.u32 s7, s10;
	s10 =	simm.s32 $0x1;
	s8 =	ssub.s32 s8, s9  }
0xc: {  	s4 =	sadd.s32 s4, s7;
	s5 =	sadd.s32 s5, s7;
	s6 =	sadd.s32 s6, s7  }
0xd: {  	v0 =	vimm.s32 $0x1810;
	v1 =	vimm.s32 $0x1890;
	v2 =	vimm.s32 $0x0;
	s9 =	simm.s32 $0x400;
	s7 =	smax.u32 s8, $0x1;
	s8 =	simm.s32 $0xC00  }
.LBB2_1:
0xe: {  	[tilespmem:s8], [sflag:$0x1] =	stream.linear.gather [hbm4b:s3+s1], $0x1C00, $0x38;
	[tilespmem:$0x2800] =	vst v63  }
0xf: {  	_ = 	snop  }
0x10: {  	[tilespmem:s1], [sflag:$0x2] =	stream.linear.gather [hbm4b:s4+s1], $0x400, $0x38;
	[tilespmem:$0x2800] =	vst v63  }
0x11: {  	_ = 	snop  }
0x12: {  	[tilespmem:s9], [sflag:$0x3] =	stream.linear.gather [hbm4b:s5+s1], $0x400, $0x38;
	[tilespmem:$0x2800] =	vst v63  }
0x13: {  	_ =	swait.ge [sflag:s10], $0x1C00  }
0x14: {  	[sflag:s10] =	ssyncset.done $0x0  }
0x15: {  	[sflag:s10] =	ssyncadd.s32 $0xFFFFE400  }
0x16: {  	_ =	swait.ge [sflag:s11], $0x400  }
0x17: {  	[sflag:s11] =	ssyncset.done $0x0  }
0x18: {  	[sflag:s11] =	ssyncadd.s32 $0xFFFFFC00  }
0x19: {  	_ =	swait.ge [sflag:s12], $0x400  }
0x1a: {  	[sflag:s12] =	ssyncset.done $0x0  }
0x1b: {  	[sflag:s12] =	ssyncadd.s32 $0xFFFFFC00  }
0x1c: {  	s16 =	simm.s32 $0x420;
	v10 =	vld.idx.msk [tilespmem:v0+s8+$0x0], $0xffff  }
0x1d: {  	v9 =	vld [tilespmem:s16+$0xFFFFFFF0]  }
0x1e: {  	s17 =	simm.s32 $0x20;
	v18 =	vld [tilespmem:s16+$0xFFFFFFE0]  }
0x1f: {  	v3 =	vld [tilespmem:s17+$0x10]  }
0x20: {  	v13 =	vld [tilespmem:s16+$0x0]  }
0x21: {  	v8 =	vld [tilespmem:s16+$0x10]  }
0x22: {  	v11 =	vld.idx.msk [tilespmem:v1+s8+$0x0], $0xffff;
	v14 =	vadd.s32 $0x1800, v9  }
0x23: {  	v5 =	vld [tilespmem:s17+$0xFFFFFFE0];
	v15 =	vadd.s32 $0x1880, v9  }
0x24: {  	v12 =	vld [tilespmem:s17+$0xFFFFFFF0];
	v16 =	vadd.s32 $0x1800, v18  }
0x25: {  	v4 =	vld [tilespmem:s17+$0x0];
	v6 =	vsub.f32 v3, v10;
	v17 =	vadd.s32 $0x1800, v13  }
0x26: {  	v26 =	vadd.s32 $0x1800, v8  }
0x27: {  	v7 =	vmul.f32 v6, v11;
	v21 =	vld.idx.msk [tilespmem:v14+s8+$0x0], $0xffff  }
0x28: {  	v19 =	vadd.s32 $0x1880, v18;
	v20 =	vshll.u32 v9, $0x7;
	v23 =	vadd.s32 $0x1880, v13;
	v24 =	vld.idx.msk [tilespmem:v15+s8+$0x0], $0xffff  }
0x29: {  	v22 =	vtrunc.f32 v7;
	v14 =	vsub.f32 v5, v10;
	v15 =	vsub.f32 v12, v10;
	v16 =	vld.idx.msk [tilespmem:v16+s8+$0x0], $0xffff  }
0x2a: {  	v25 =	vsub.f32 v4, v10;
	vm0 =	vgt.f32 v7, v22;
	v28 =	vld.idx.msk [tilespmem:v17+s8+$0x0], $0xffff;
	v17 =	vcvt.f32.s32 v22  }
0x2b: {  	v26 =	vld.idx.msk [tilespmem:v26+s8+$0x0], $0xffff;
	vm0 =	vmneg vm0;
	v14 =	vmul.f32 v14, v11;
	v15 =	vmul.f32 v15, v11  }
0x2c: {  	v27 =	vadd.s32 $0x1880, v8;
	v6 =	vadd.s32 $0x1900, v18;
	v22 =	vsel vm0, $0xFFFFFFFF, v2  }
0x2d: {  	v19 =	vld.idx.msk [tilespmem:v19+s8+$0x0], $0xffff;
	v22 =	vadd.s32 v17, v22;
	v29 =	vtrunc.f32 v14;
	v30 =	vtrunc.f32 v15  }
0x2e: {  	vm2 =	vgt.s32 v22, $0x0;
	v21 =	vsub.f32 v12, v21;
	vm0 =	vgt.f32 v14, v29  }
0x2f: {  	vm1 =	vgt.f32 v15, v30;
	v16 =	vsub.f32 v5, v16;
	v28 =	vsub.f32 v4, v28  }
0x30: {  	v23 =	vld.idx.msk [tilespmem:v23+s8+$0x0], $0xffff;
	v22 =	vnsel vm2, $0x0, v22;
	v26 =	vsub.f32 v3, v26;
	v17 =	vmul.f32 v24, v21  }
0x31: {  	vm1 =	vmneg vm1;
	vm0 =	vmneg vm0;
	v21 =	vcvt.f32.s32 v29  }
0x32: {  	v22 =	vmin.u32 v22, $0x7F;
	v16 =	vmul.f32 v19, v16;
	v24 =	vtrunc.f32 v17  }
0x33: {  	v29 =	vsel vm1, $0xFFFFFFFF, v2;
	v31 =	vor.u32 $0x1400, v22;
	v19 =	vcvt.f32.s32 v24  }
0x34: {  	vm3 =	vgt.f32 v17, v24;
	v24 =	vcvt.f32.s32 v30;
	v30 =	vshll.u32 v18, $0x7  }
0x35: {  	v18 =	vmul.f32 v23, v28;
	v28 =	vtrunc.f32 v16;
	vm3 =	vmneg vm3  }
0x36: {  	v24 =	vadd.s32 v24, v29;
	v23 =	vsel vm3, $0xFFFFFFFF, v2;
	v29 =	vsel vm0, $0xFFFFFFFF, v2  }
0x37: {  	v34 =	vtrunc.f32 v18;
	vm1 =	vgt.s32 v24, $0x0;
	v19 =	vadd.s32 v19, v23  }
0x38: {  	v27 =	vld.idx.msk [tilespmem:v27+s8+$0x0], $0xffff;
	v21 =	vadd.s32 v21, v29;
	v62 =	vcvt.f32.s32 v34;
	v24 =	vnsel vm1, $0x0, v24  }
0x39: {  	vm1 =	vgt.f32 v16, v28;
	v28 =	vcvt.f32.s32 v28;
	vm0 =	vgt.s32 v19, $0x0  }
0x3a: {  	v24 =	vmin.u32 v24, $0x7F;
	v19 =	vnsel vm0, $0x0, v19;
	vm0 =	vmneg vm1  }
0x3b: {  	v23 =	vor.u32 $0x800, v24;
	v19 =	vmin.u32 v19, $0x7F;
	v32 =	vor.u32 $0x1400, v24  }
0x3c: {  	v29 =	vsel vm0, $0xFFFFFFFF, v2;
	vm0 =	vgt.s32 v21, $0x0;
	v24 =	vor.u32 $0x800, v22  }
0x3d: {  	v33 =	vor.u32 v20, v19;
	v21 =	vnsel vm0, $0x0, v21;
	v19 =	vmul.f32 v27, v26  }
0x3e: {  	v26 =	vadd.s32 v28, v29;
	vm0 =	vgt.f32 v18, v34;
	v28 =	vmul.f32 v25, v11  }
0x3f: {  	v20 =	vadd.s32 $0xC00, v33;
	v21 =	vmin.u32 v21, $0x7F;
	vm0 =	vmneg vm0  }
0x40: {  	vm2 =	vgt.s32 v26, $0x0;
	v35 =	vor.u32 $0x800, v21;
	v27 =	vtrunc.f32 v19  }
0x41: {  	v22 =	vld.idx.msk [tilespmem:v31+s8+$0x0], $0xffff;
	v21 =	vor.u32 $0x1400, v21;
	v36 =	vsel vm0, $0xFFFFFFFF, v2;
	v26 =	vnsel vm2, $0x0, v26  }
0x42: {  	vm1 =	vgt.f32 v19, v27;
	v25 =	vcvt.f32.s32 v27;
	v26 =	vmin.u32 v26, $0x7F;
	v27 =	vld.idx.msk [tilespmem:v23+s8+$0x0], $0xffff  }
0x43: {  	vm0 =	vmneg vm1;
	v31 =	vor.u32 v30, v26;
	v23 =	vld.idx.msk [tilespmem:v32+s8+$0x0], $0xffff;
	v30 =	vtrunc.f32 v28  }
0x44: {  	v29 =	vld.idx.msk [tilespmem:v33+s8+$0x0], $0xffff;
	v63 =	vsel vm0, $0xFFFFFFFF, v2;
	v33 =	vcvt.f32.s32 v30  }
0x45: {  	s18 =	simm.s32 $0x0;
	s19 =	simm.s32 $0x60;
	vm1 =	vgt.f32 v28, v30;
	v26 =	vadd.s32 v25, v63;
	v25 =	vadd.s32 v62, v36;
	v32 =	vld.idx.msk [tilespmem:v35+s8+$0x0], $0xffff  }
0x46: {  	s20 =	simm.s32 $0x460;
	s17 =	simm.s32 $0x820;
	s16 =	simm.s32 $0x820;
	vm2 =	vmneg vm1;
	v30 =	vld.idx.msk [tilespmem:v21+s8+$0x0], $0xffff;
	vm0 =	vgt.s32 v25, $0x0;
	vm1 =	vgt.s32 v26, $0x0  }
.LBB2_2:
0x47: {  	s18 =	sadd.s32 $0x40, s18;
	v34 =	vadd.s32 $0xC00, v31;
	v35 =	vadd.s32 $0x1900, v9;
	v36 =	vld.idx.msk [tilespmem:v20+s8+$0x0], $0xffff;
	v20 =	vadd.s32 $0x1900, v13;
	s17 =	sadd.s32 $0x40, s17  }
0x48: {  	v37 =	vsel vm2, $0xFFFFFFFF, v2;
	v21 =	vadd.s32 $0x1900, v8;
	p0 =	slt.u32 s18, $0x3C0;
	v38 =	vld.idx.msk [tilespmem:v24+s8+$0x0], $0xffff  }
0x49: {  	v24 =	vnsel vm0, $0x0, v25;
	v33 =	vadd.s32 v33, v37;
	v9 =	vld [tilespmem:s20+$0xFFFFFFF0]  }
0x4a: {  	v13 =	vshll.u32 v13, $0x7;
	v37 =	vmin.u32 v24, $0x7F;
	vm0 =	vgt.s32 v33, $0x0;
	v25 =	vld [tilespmem:s20+$0xFFFFFFE0]  }
0x4b: {  	v32 =	vmul.f32 v32, v5;
	v33 =	vnsel vm0, $0x0, v33;
	v37 =	vor.u32 v13, v37;
	v24 =	vld [tilespmem:s19+$0x10]  }
0x4c: {  	v29 =	vmul.f32 v29, v12;
	vm3 =	vgt.f32 v28, $0.0e+00;
	v13 =	vmin.u32 v33, $0x7F;
	v39 =	vld [tilespmem:s20+$0x10]  }
0x4d: {  	vm5 =	vgt.f32 v17, $0.0e+00;
	v17 =	vor.u32 $0x800, v13;
	v28 =	vld.idx.msk [tilespmem:v31+s8+$0x0], $0xffff;
	v31 =	vor.u32 $0x1400, v13  }
0x4e: {  	vm6 =	vgt.f32 v15, $0.0e+00;
	v15 =	vadd.s32 $0xC00, v37;
	v33 =	vld.idx.msk [tilespmem:v34+s8+$0x0], $0xffff;
	v34 =	vmul.f32 v38, v3  }
0x4f: {  	v12 =	vmul.f32 v27, v12;
	v30 =	vsub.f32 v32, v30;
	v38 =	vadd.s32 $0x1900, v25;
	v13 =	vld [tilespmem:s20+$0x0]  }
0x50: {  	v27 =	vsub.f32 v29, v36;
	v32 =	vshll.u32 v8, $0x7;
	v29 =	vld.idx.msk [tilespmem:v37+s8+$0x0], $0xffff;
	v22 =	vsub.f32 v34, v22  }
0x51: {  	vm2 =	vgt.f32 v18, $0.0e+00;
	vm7 =	vgt.f32 v7, $0.0e+00;
	vm0 =	vgt.f32 v19, $0.0e+00;
	v34 =	vld [tilespmem:s19+$0x0];
	v8 =	vmovc v39  }
0x52: {  	vm4 =	vgt.f32 v16, $0.0e+00;
	vm8 =	vgt.f32 v14, $0.0e+00;
	v7 =	vsub.f32 v24, v10;
	v14 =	vld.idx.msk [tilespmem:v17+s8+$0x0], $0xffff  }
0x53: {  	v16 =	vnsel vm8, $0x0, v30;
	v17 =	vsub.f32 v12, v23;
	v19 =	vnsel vm7, $0x0, v22;
	v18 =	vld.idx.msk [tilespmem:v31+s8+$0x0], $0xffff  }
0x54: {  	v30 =	vadd.s32 $0x1800, v25;
	v7 =	vmul.f32 v7, v11;
	v31 =	vadd.s32 $0x1800, v9;
	v12 =	vld [tilespmem:s19+$0xFFFFFFF0]  }
0x55: {  	v36 =	vadd.s32 $0x1880, v9;
	v28 =	vmul.f32 v28, v5;
	v37 =	vadd.s32 $0x1800, v13;
	v35 =	vld.idx.msk [tilespmem:v35+s8+$0x0], $0xffff  }
0x56: {  	v22 =	vshll.u32 v9, $0x7;
	v39 =	vtrunc.f32 v7;
	v29 =	vmul.f32 v29, v4  }
0x57: {  	v27 =	vnsel vm5, $0x0, v27;
	v40 =	vadd.s32 $0x1880, v13;
	v17 =	vnsel vm6, $0x0, v17;
	v5 =	vld [tilespmem:s19+$0xFFFFFFE0]  }
0x58: {  	v28 =	vsub.f32 v28, v33;
	v23 =	vsub.f32 v34, v10;
	v14 =	vmul.f32 v14, v4;
	v33 =	vld.idx.msk [tilespmem:v15+s8+$0x0], $0xffff  }
0x59: {  	vm5 =	vgt.f32 v7, v39;
	v4 =	vmovc v34;
	v15 =	vadd.f32 v17, v27;
	v17 =	vnsel vm1, $0x0, v26;
	v31 =	vld.idx.msk [tilespmem:v31+s8+$0x0], $0xffff  }
0x5a: {  	v34 =	vadd.s32 $0x1800, v8;
	v26 =	vadd.s32 $0x1880, v25;
	v27 =	vld.idx.msk [tilespmem:v36+s8+$0x0], $0xffff;
	v36 =	vadd.s32 $0x1880, v8  }
0x5b: {  	vm1 =	vmneg vm5;
	v41 =	vsub.f32 v12, v10;
	v18 =	vsub.f32 v14, v18  }
0x5c: {  	v42 =	vsel vm1, $0xFFFFFFFF, v2;
	v35 =	vadd.f32 v15, v35;
	v14 =	vsub.f32 v5, v10;
	v37 =	vld.idx.msk [tilespmem:v37+s8+$0x0], $0xffff  }
0x5d: {  	v28 =	vnsel vm4, $0x0, v28;
	v17 =	vmin.u32 v17, $0x7F;
	v15 =	vmul.f32 v41, v11;
	v30 =	vld.idx.msk [tilespmem:v30+s8+$0x0], $0xffff  }
0x5e: {  	v32 =	vor.u32 v32, v17;
	v18 =	vnsel vm3, $0x0, v18;
	v14 =	vmul.f32 v14, v11;
	v41 =	vld.idx.msk [tilespmem:v6+s8+$0x0], $0xffff;
	[tilespmem:s16+$0xFFFFFFF0] =	vst v35  }
0x5f: {  	v17 =	vsub.f32 v12, v31;
	v31 =	vcvt.f32.s32 v39;
	v35 =	vadd.s32 $0xC00, v32;
	v6 =	vmovc v38;
	v26 =	vld.idx.msk [tilespmem:v26+s8+$0x0], $0xffff  }
0x60: {  	v16 =	vadd.f32 v16, v28;
	v28 =	vsub.f32 v29, v33;
	v38 =	vtrunc.f32 v14;
	v34 =	vld.idx.msk [tilespmem:v34+s8+$0x0], $0xffff  }
0x61: {  	v29 =	vtrunc.f32 v15;
	v31 =	vadd.s32 v31, v42;
	vm1 =	vgt.f32 v14, v38;
	v33 =	vld.idx.msk [tilespmem:v36+s8+$0x0], $0xffff  }
0x62: {  	vm3 =	vgt.f32 v15, v29;
	v17 =	vmul.f32 v27, v17;
	v36 =	vcvt.f32.s32 v38;
	v27 =	vld.idx.msk [tilespmem:v40+s8+$0x0], $0xffff  }
0x63: {  	vm3 =	vmneg vm3;
	vm4 =	vgt.s32 v31, $0x0;
	v30 =	vsub.f32 v5, v30;
	v32 =	vld.idx.msk [tilespmem:v32+s8+$0x0], $0xffff  }
0x64: {  	v37 =	vsub.f32 v4, v37;
	v38 =	vtrunc.f32 v17;
	v39 =	vadd.f32 v16, v41  }
0x65: {  	vm5 =	vgt.f32 v17, v38;
	v16 =	vmul.f32 v26, v30;
	v26 =	vcvt.f32.s32 v38;
	v30 =	vld.idx.msk [tilespmem:v35+s8+$0x0], $0xffff  }
0x66: {  	v28 =	vnsel vm2, $0x0, v28;
	v31 =	vnsel vm4, $0x0, v31;
	vm5 =	vmneg vm5;
	[tilespmem:s16+$0xFFFFFFE0] =	vst v39  }
0x67: {  	v29 =	vcvt.f32.s32 v29;
	v28 =	vadd.f32 v18, v28;
	v34 =	vsub.f32 v24, v34  }
0x68: {  	v25 =	vshll.u32 v25, $0x7;
	v35 =	vsel vm3, $0xFFFFFFFF, v2;
	v18 =	vmul.f32 v27, v37  }
0x69: {  	v29 =	vadd.s32 v29, v35;
	v27 =	vsel vm5, $0xFFFFFFFF, v2;
	v32 =	vmul.f32 v32, v3;
	v3 =	vmovc v24  }
0x6a: {  	vm1 =	vmneg vm1;
	vm2 =	vgt.s32 v29, $0x0;
	v24 =	vtrunc.f32 v16;
	v20 =	vld.idx.msk [tilespmem:v20+s8+$0x0], $0xffff  }
0x6b: {  	v35 =	vsel vm1, $0xFFFFFFFF, v2;
	v29 =	vnsel vm2, $0x0, v29;
	vm3 =	vgt.f32 v16, v24;
	v21 =	vld.idx.msk [tilespmem:v21+s8+$0x0], $0xffff  }
0x6c: {  	v31 =	vmin.u32 v31, $0x7F;
	v29 =	vmin.u32 v29, $0x7F;
	v30 =	vsub.f32 v32, v30  }
0x6d: {  	v32 =	vcvt.f32.s32 v24;
	v24 =	vadd.s32 v26, v27;
	v26 =	vor.u32 $0x800, v29  }
0x6e: {  	v27 =	vor.u32 $0x1400, v31;
	vm1 =	vgt.s32 v24, $0x0;
	v30 =	vnsel vm0, $0x0, v30  }
0x6f: {  	v35 =	vadd.s32 v36, v35;
	v24 =	vnsel vm1, $0x0, v24;
	v19 =	vadd.f32 v19, v30  }
0x70: {  	vm0 =	vmneg vm3;
	v24 =	vmin.u32 v24, $0x7F;
	v30 =	vor.u32 $0x1400, v29  }
0x71: {  	v29 =	vsel vm0, $0xFFFFFFFF, v2;
	vm0 =	vgt.s32 v35, $0x0;
	v28 =	vadd.f32 v28, v20  }
0x72: {  	v36 =	vor.u32 v22, v24;
	v24 =	vor.u32 $0x800, v31;
	v21 =	vadd.f32 v19, v21  }
0x73: {  	v22 =	vnsel vm0, $0x0, v35;
	v20 =	vadd.s32 $0xC00, v36;
	v19 =	vmul.f32 v33, v34;
	[tilespmem:s16+$0x0] =	vst v28  }
0x74: {  	v31 =	vtrunc.f32 v18;
	v28 =	vadd.s32 v32, v29;
	v29 =	vmin.u32 v22, $0x7F;
	v22 =	vld.idx.msk [tilespmem:v27+s8+$0x0], $0xffff;
	[tilespmem:s16+$0x10] =	vst v21;
	s16 =	smov.u32 s17  }
0x75: {  	vm0 =	vgt.f32 v18, v31;
	v21 =	vor.u32 $0x800, v29;
	v27 =	vtrunc.f32 v19  }
0x76: {  	vm0 =	vmneg vm0;
	v34 =	vor.u32 $0x1400, v29;
	vm1 =	vgt.f32 v19, v27  }
0x77: {  	v33 =	vsel vm0, $0xFFFFFFFF, v2;
	vm2 =	vgt.s32 v28, $0x0;
	vm0 =	vmneg vm1  }
.Ltmp0:
0x78: {  	v32 =	vnsel vm2, $0x0, v28;
	v28 =	vmul.f32 v23, v11;
	v35 =	vcvt.f32.s32 v27;
	v29 =	vld.idx.msk [tilespmem:v36+s8+$0x0], $0xffff;
	(pc) =	sbr.rel @p0 .LBB2_2-.Ltmp0, $4  }
0x79: {  	v23 =	vmin.u32 v32, $0x7F;
	v36 =	vcvt.f32.s32 v31;
	v27 =	vld.idx.msk [tilespmem:v26+s8+$0x0], $0xffff;
	v26 =	vsel vm0, $0xFFFFFFFF, v2  }
0x7a: {  	v31 =	vor.u32 v25, v23;
	v23 =	vld.idx.msk [tilespmem:v30+s8+$0x0], $0xffff;
	v30 =	vtrunc.f32 v28;
	v26 =	vadd.s32 v35, v26  }
0x7b: {  	v25 =	vadd.s32 v36, v33;
	v32 =	vld.idx.msk [tilespmem:v21+s8+$0x0], $0xffff;
	v33 =	vcvt.f32.s32 v30;
	vm1 =	vgt.f32 v28, v30  }
0x7c: {  	s20 =	sadd.s32 $0x40, s20;
	s19 =	sadd.s32 $0x40, s19;
	vm0 =	vgt.s32 v25, $0x0;
	v30 =	vld.idx.msk [tilespmem:v34+s8+$0x0], $0xffff;
	vm2 =	vmneg vm1;
	vm1 =	vgt.s32 v26, $0x0  }
0x7d: {  	v10 =	vsel vm2, $0xFFFFFFFF, v2;
	v11 =	vadd.s32 $0xC00, v31  }
0x7e: {  	v21 =	vnsel vm0, $0x0, v25;
	v43 =	vshll.u32 v13, $0x7;
	v26 =	vnsel vm1, $0x0, v26  }
0x7f: {  	v45 =	vshll.u32 v8, $0x7;
	v10 =	vadd.s32 v33, v10;
	v21 =	vmin.u32 v21, $0x7F  }
0x80: {  	v26 =	vmin.u32 v26, $0x7F;
	vm12 =	vgt.s32 v10, $0x0;
	v21 =	vor.u32 v43, v21  }
0x81: {  	v20 =	vld.idx.msk [tilespmem:v20+s8+$0x0], $0xffff;
	v26 =	vor.u32 v45, v26;
	v10 =	vnsel vm12, $0x0, v10  }
0x82: {  	v24 =	vld.idx.msk [tilespmem:v24+s8+$0x0], $0xffff;
	v47 =	vadd.s32 $0xC00, v21;
	v10 =	vmin.u32 v10, $0x7F  }
0x83: {  	v46 =	vld.idx.msk [tilespmem:v31+s8+$0x0], $0xffff;
	v44 =	vor.u32 $0x800, v10  }
0x84: {  	v9 =	vadd.s32 $0x1900, v9;
	v34 =	vadd.s32 $0xC00, v26;
	v11 =	vld.idx.msk [tilespmem:v11+s8+$0x0], $0xffff  }
0x85: {  	v48 =	vadd.s32 $0x1900, v13;
	v49 =	vadd.s32 $0x1900, v8;
	v10 =	vor.u32 $0x1400, v10;
	v21 =	vld.idx.msk [tilespmem:v21+s8+$0x0], $0xffff  }
0x86: {  	v29 =	vmul.f32 v29, v12;
	vm13 =	vgt.f32 v28, $0.0e+00;
	vm14 =	vgt.f32 v17, $0.0e+00;
	v53 =	vld.idx.msk [tilespmem:v26+s8+$0x0], $0xffff  }
0x87: {  	vm15 =	vgt.f32 v15, $0.0e+00;
	vm3 =	vgt.f32 v18, $0.0e+00;
	v52 =	vmul.f32 v27, v12;
	v54 =	vld.idx.msk [tilespmem:v47+s8+$0x0], $0xffff  }
0x88: {  	vm4 =	vgt.f32 v19, $0.0e+00;
	vm5 =	vgt.f32 v7, $0.0e+00;
	v32 =	vmul.f32 v32, v5;
	v25 =	vld.idx.msk [tilespmem:v44+s8+$0x0], $0xffff  }
0x89: {  	vm6 =	vgt.f32 v16, $0.0e+00;
	v12 =	vsub.f32 v52, v23;
	v50 =	vmul.f32 v24, v3;
	v55 =	vld.idx.msk [tilespmem:v34+s8+$0x0], $0xffff  }
0x8a: {  	vm7 =	vgt.f32 v14, $0.0e+00;
	v51 =	vsub.f32 v32, v30;
	v20 =	vsub.f32 v29, v20;
	v10 =	vld.idx.msk [tilespmem:v10+s8+$0x0], $0xffff  }
0x8b: {  	v56 =	vmul.f32 v46, v5;
	v9 =	vld.idx.msk [tilespmem:v9+s8+$0x0], $0xffff;
	v60 =	vnsel vm15, $0x0, v12;
	v15 =	vsub.f32 v50, v22  }
0x8c: {  	v14 =	vnsel vm7, $0x0, v51;
	v59 =	vnsel vm14, $0x0, v20;
	v3 =	vmul.f32 v53, v3  }
0x8d: {  	v6 =	vld.idx.msk [tilespmem:v6+s8+$0x0], $0xffff;
	v5 =	vsub.f32 v56, v11;
	v57 =	vmul.f32 v21, v4;
	v58 =	vmul.f32 v25, v4  }
0x8e: {  	v8 =	vld.idx.msk [tilespmem:v49+s8+$0x0], $0xffff;
	v15 =	vnsel vm5, $0x0, v15;
	v11 =	vadd.f32 v60, v59;
	v3 =	vsub.f32 v3, v55  }
0x8f: {  	v62 =	vld.idx.msk [tilespmem:v48+s8+$0x0], $0xffff;
	v5 =	vnsel vm6, $0x0, v5;
	v61 =	vsub.f32 v57, v54;
	v4 =	vsub.f32 v58, v10  }
0x90: {  	v9 =	vadd.f32 v11, v9;
	v5 =	vadd.f32 v14, v5;
	v3 =	vnsel vm4, $0x0, v3  }
0x91: {  	v63 =	vnsel vm3, $0x0, v61;
	v3 =	vadd.f32 v15, v3;
	v4 =	vnsel vm13, $0x0, v4  }
0x92: {  	v5 =	vadd.f32 v5, v6;
	v4 =	vadd.f32 v4, v63  }
0x93: {  	[tilespmem:s16+$0xFFFFFFF0] =	vst v9;
	v3 =	vadd.f32 v3, v8  }
0x94: {  	s15 =	sadd.s32 $0x1, s15;
	[tilespmem:s16+$0xFFFFFFE0] =	vst v5;
	v4 =	vadd.f32 v4, v62  }
0x95: {  	p0 =	sne.s32 s15, s7;
	[tilespmem:s16+$0x10] =	vst v3  }
.Ltmp1:
0x96: {  	[tilespmem:s16+$0x0] =	vst v4;
	(pc) =	sbr.rel @p0 .LBB2_1-.Ltmp1, $4  }
0x97: {  	[hbm4b:s6+s1] =	stream.linear.scatter [tilespmem:s13], [sflag:$0x4], $0x400, $0x38;
	[tilespmem:$0x2800] =	vst v63  }
0x98: {  	_ =	swait.ge [sflag:s14], $0x400  }
0x99: {  	[sflag:s14] =	ssyncset.done $0x0  }
0x9a: {  	[sflag:s14] =	ssyncadd.s32 $0xFFFFFC00  }
0x9b: {  	_ =	sfence.sel $0x180000  }
0x9c: {  	[bflag:$0x0] =	sbarrier.arrive $0xFFFF  }
0x9d: {  	p0 =	sne.s32 s2, $0x0;
	_ =	strace $0x90000047  }
0x9e: {  	s0 =	sadd.s32 @!p0 $0x100000, s0;
	[bflag:$0x2] =	sbarrier.arrive $0xFFFF  }
0x9f: {  	[sflag:s0] =	ssyncadd.tile.s32 @!p0 $0x1;
	_ =	shalt  }
.Lfunc_end2:
_tile_overlayer_lowered:
.L_overlay_start_2:
0xa0: {  	(tag) =	ssettag $0x2  }
0xa1: {  	s0 =	rddreg [dreg:$0x0];
	s2 =	stileid.u32  }
0xa2: {  	s1 =	rddreg [dreg:$0x1];
	p0 =	sne.s32 s2, $0x0  }
0xa3: {  	s3 =	rddreg [dreg:$0x2];
	[bflag:$0x3] =	sbarrier.arrive $0xFFFF;
	s2 =	simm.s32 @!p0 $0x1C04  }
0xa4: {  	[timem:s3], [sflag:s2] =	dma.local @!p0 [hbm:s0], s1  }
0xa5: {  	s0 =	simm.s32 @!p0 $0x4  }
0xa6: {  	_ =	swait.ge @!p0 [sflag:s0], s1  }
0xa7: {  	s1 =	ssub.s32 @!p0 $0x0, s1;
	[sflag:s0] =	ssyncset.done @!p0 $0x0  }
0xa8: {  	[sflag:s0] =	ssyncadd.s32 @!p0 s1  }
0xa9: {  	[bflag:$0x3] =	sbarrier.arrive $0xFFFF  }
0xaa: {  	_ =	shalt  }

</sc_bundles>
